<compile_context>
chip_gen: v7x
topology: tpu7x:2x2x1
jax: 0.10.2.dev20260603
libtpu: 0.0.44.dev20260713+nightly
codegen_flags: <defaults>
</compile_context>

<pallas_src>
import functools

import jax
import jax.numpy as jnp
from jax import lax
from jax.experimental import pallas as pl
from jax.experimental.pallas import tpu as pltpu
from jax.experimental.pallas import tpu_sc as plsc

_BATCH = 1024
_TS = 1000
_NW = 16
_BPW = _BATCH // _NW
_L = 16


@functools.partial(
    pl.kernel,
    mesh=plsc.VectorSubcoreMesh(core_axis_name="c", subcore_axis_name="s",
                                num_cores=1),
    compiler_params=pltpu.CompilerParams(
        needs_layout_passes=False,
        skip_device_barrier=True,
        disable_bounds_checks=True,
        disable_semaphore_checks=True,
    ),
    out_type=(
        jax.ShapeDtypeStruct((_BATCH,), jnp.float32),
        jax.ShapeDtypeStruct((_BATCH,), jnp.float32),
    ),
    scratch_types=[
        pltpu.VMEM((_BPW,), jnp.int32),
        pltpu.VMEM((1024,), jnp.float32),
        pltpu.VMEM((1024,), jnp.float32),
        pltpu.VMEM((_BPW,), jnp.float32),
        pltpu.VMEM((_BPW,), jnp.float32),
        pltpu.SemaphoreType.DMA,
        pltpu.SemaphoreType.DMA,
    ],
)
def _gather_bt_at(t_hbm, beta_hbm, alpha_hbm, beta_out, alpha_out,
                  idx_v, bt_v, at_v, bo_v, ao_v, sem_in, sem_out):
    base = lax.axis_index("s") * _BPW
    ci = pltpu.async_copy(t_hbm.at[pl.ds(base, _BPW)], idx_v, sem_in)
    cb = pltpu.async_copy(beta_hbm, bt_v.at[pl.ds(0, _TS)], sem_in)
    ca = pltpu.async_copy(alpha_hbm, at_v.at[pl.ds(0, _TS)], sem_in)
    ci.wait()
    cb.wait()
    ca.wait()

    def body(j, _):
        iv = idx_v[pl.ds(j * _L, _L)]
        bo_v[pl.ds(j * _L, _L)] = plsc.load_gather(bt_v, [iv])
        ao_v[pl.ds(j * _L, _L)] = plsc.load_gather(at_v, [iv])
        return 0

    lax.fori_loop(0, _BPW // _L, body, 0, unroll=False)
    ob = pltpu.async_copy(bo_v, beta_out.at[pl.ds(base, _BPW)], sem_out)
    oa = pltpu.async_copy(ao_v, alpha_out.at[pl.ds(base, _BPW)], sem_out)
    ob.wait()
    oa.wait()


def kernel(x, t, beta, alpha):
    return _gather_bt_at(t, beta, alpha)

# --- scband reference (transcript-rebuilt; emitter-appended) ---
"""Pipeline reference for scband-ddpmscheduler-33088428048659 (READ-ONLY COPY).

The authoritative reference and input builder live on the scoring server;
editing this copy changes nothing except your own understanding.
"""

import jax, jax.numpy as jnp
import numpy as np

BETA_START = 1e-4
BETA_END = 0.02
TIME_STEPS = 1000
BATCH = 1024


def setup_inputs(seed: int = 0) -> dict:
    key = jax.random.key(seed)
    k1, k2 = jax.random.split(key)
    x = jax.random.normal(k1, (BATCH, 3, 64, 64), dtype=jnp.float32)
    t = jax.random.randint(k2, (BATCH,), 0, TIME_STEPS, dtype=jnp.int32)
    # buffers computed in __init__ (non-learned, but materialized as inputs)
    beta = jnp.linspace(BETA_START, BETA_END, TIME_STEPS, dtype=jnp.float32)
    alpha = jnp.cumprod(1.0 - beta, axis=0)
    return {"x": x, "t": t, "beta": beta, "alpha": alpha}


def reference(x, t, beta, alpha):
    # forward: gather per-timestep beta and cumulative alpha
    beta_t = jnp.take(beta, t, axis=0)
    alpha_t = jnp.take(alpha, t, axis=0)
    return (beta_t, alpha_t)

if __name__ == "__main__":
    import jax
    _d = setup_inputs()
    print(jax.jit(kernel)(*tuple(_d.values())))

</pallas_src>

<mosaic_0001>
#map = affine_map<(d0, d1) -> (0)>
module attributes {stable_mosaic.version = 14 : i64} {
  func.func @_gather_bt_at(%arg0: i32, %arg1: i32, %arg2: memref<1024xi32, #tpu.memory_space<hbm>>, %arg3: memref<1000xf32, #tpu.memory_space<hbm>>, %arg4: memref<1000xf32, #tpu.memory_space<hbm>>, %arg5: memref<1024xf32, #tpu.memory_space<hbm>>, %arg6: memref<1024xf32, #tpu.memory_space<hbm>>, %arg7: memref<64xi32, #tpu.memory_space<vmem>>, %arg8: memref<1024xf32, #tpu.memory_space<vmem>>, %arg9: memref<1024xf32, #tpu.memory_space<vmem>>, %arg10: memref<64xf32, #tpu.memory_space<vmem>>, %arg11: memref<64xf32, #tpu.memory_space<vmem>>, %arg12: memref<!tpu.dma_semaphore, #tpu.memory_space<semaphore_mem>>, %arg13: memref<!tpu.dma_semaphore, #tpu.memory_space<semaphore_mem>>) attributes {dimension_semantics = [#tpu.dimension_semantics<core_parallel>, #tpu.dimension_semantics<subcore_parallel>], iteration_bounds = array<i64: 1, 16>, scalar_prefetch = 0 : i64, scratch_operands = 7 : i64, tpu.core_type = #tpu.core_type<sc_vector_subcore>, window_params = [{transform_indices = #map}, {transform_indices = #map}, {transform_indices = #map}, {transform_indices = #map}, {transform_indices = #map}]} {
    %mul3A = arith.constant 64 : i32
    %mul3A_0 = arith.muli %arg1, %mul3A : i32
    %dma_start3A = tpu.memref_slice %arg2[%mul3A_0] : memref<1024xi32, #tpu.memory_space<hbm>> -> memref<64xi32, #tpu.memory_space<hbm>>
    %dma_start3A_1 = tpu.memref_slice %arg2[%mul3A_0] : memref<1024xi32, #tpu.memory_space<hbm>> -> memref<64xi32, #tpu.memory_space<hbm>>
    tpu.enqueue_dma source(%dma_start3A_1 : memref<64xi32, #tpu.memory_space<hbm>>) target(%arg7 : memref<64xi32, #tpu.memory_space<vmem>>) target_semaphore(%arg12 : memref<!tpu.dma_semaphore, #tpu.memory_space<semaphore_mem>>)
    %dma_start3A_2 = arith.constant 0 : i32
    %dma_start3A_3 = tpu.memref_slice %arg8[%dma_start3A_2] : memref<1024xf32, #tpu.memory_space<vmem>> -> memref<1000xf32, #tpu.memory_space<vmem>>
    %dma_start3A_4 = arith.constant 0 : i32
    %dma_start3A_5 = tpu.memref_slice %arg8[%dma_start3A_4] : memref<1024xf32, #tpu.memory_space<vmem>> -> memref<1000xf32, #tpu.memory_space<vmem>>
    tpu.enqueue_dma source(%arg3 : memref<1000xf32, #tpu.memory_space<hbm>>) target(%dma_start3A_5 : memref<1000xf32, #tpu.memory_space<vmem>>) target_semaphore(%arg12 : memref<!tpu.dma_semaphore, #tpu.memory_space<semaphore_mem>>)
    %dma_start3A_6 = arith.constant 0 : i32
    %dma_start3A_7 = tpu.memref_slice %arg9[%dma_start3A_6] : memref<1024xf32, #tpu.memory_space<vmem>> -> memref<1000xf32, #tpu.memory_space<vmem>>
    %dma_start3A_8 = arith.constant 0 : i32
    %dma_start3A_9 = tpu.memref_slice %arg9[%dma_start3A_8] : memref<1024xf32, #tpu.memory_space<vmem>> -> memref<1000xf32, #tpu.memory_space<vmem>>
    tpu.enqueue_dma source(%arg4 : memref<1000xf32, #tpu.memory_space<hbm>>) target(%dma_start3A_9 : memref<1000xf32, #tpu.memory_space<vmem>>) target_semaphore(%arg12 : memref<!tpu.dma_semaphore, #tpu.memory_space<semaphore_mem>>)
    %dma_wait3A = tpu.memref_slice %arg2[%mul3A_0] : memref<1024xi32, #tpu.memory_space<hbm>> -> memref<64xi32, #tpu.memory_space<hbm>>
    %dma_wait3A_10 = tpu.memref_slice %arg2[%mul3A_0] : memref<1024xi32, #tpu.memory_space<hbm>> -> memref<64xi32, #tpu.memory_space<hbm>>
    tpu.wait_dma2 semaphore(%arg12 : memref<!tpu.dma_semaphore, #tpu.memory_space<semaphore_mem>>) src(%dma_wait3A_10 : memref<64xi32, #tpu.memory_space<hbm>>) dst(%arg7 : memref<64xi32, #tpu.memory_space<vmem>>)
    %dma_wait3A_11 = arith.constant 0 : i32
    %dma_wait3A_12 = tpu.memref_slice %arg8[%dma_wait3A_11] : memref<1024xf32, #tpu.memory_space<vmem>> -> memref<1000xf32, #tpu.memory_space<vmem>>
    %dma_wait3A_13 = arith.constant 0 : i32
    %dma_wait3A_14 = tpu.memref_slice %arg8[%dma_wait3A_13] : memref<1024xf32, #tpu.memory_space<vmem>> -> memref<1000xf32, #tpu.memory_space<vmem>>
    tpu.wait_dma2 semaphore(%arg12 : memref<!tpu.dma_semaphore, #tpu.memory_space<semaphore_mem>>) src(%arg3 : memref<1000xf32, #tpu.memory_space<hbm>>) dst(%dma_wait3A_14 : memref<1000xf32, #tpu.memory_space<vmem>>)
    %dma_wait3A_15 = arith.constant 0 : i32
    %dma_wait3A_16 = tpu.memref_slice %arg9[%dma_wait3A_15] : memref<1024xf32, #tpu.memory_space<vmem>> -> memref<1000xf32, #tpu.memory_space<vmem>>
    %dma_wait3A_17 = arith.constant 0 : i32
    %dma_wait3A_18 = tpu.memref_slice %arg9[%dma_wait3A_17] : memref<1024xf32, #tpu.memory_space<vmem>> -> memref<1000xf32, #tpu.memory_space<vmem>>
    tpu.wait_dma2 semaphore(%arg12 : memref<!tpu.dma_semaphore, #tpu.memory_space<semaphore_mem>>) src(%arg4 : memref<1000xf32, #tpu.memory_space<hbm>>) dst(%dma_wait3A_18 : memref<1000xf32, #tpu.memory_space<vmem>>)
    %scan3A = arith.constant 0 : i32
    %scan3A_19 = arith.constant 0 : i32
    %scan3A_20 = arith.constant 4 : i32
    %scan3A_21 = arith.addi %scan3A_19, %scan3A_20 : i32
    %scan3A_22 = arith.constant 1 : i32
    %scan3A_23 = scf.for %scan3A_33 = %scan3A_19 to %scan3A_21 step %scan3A_22 iter_args(%scan3A_34 = %scan3A) -> (i32)  : i32 {
      %mul3A_35 = arith.constant 16 : i32
      %mul3A_36 = arith.muli %scan3A_33, %mul3A_35 : i32
      %get3A = arith.index_cast %mul3A_36 : i32 to index
      %get3A_37 = tpu.vector_load %arg7[%get3A] {strides = array<i32>} : memref<64xi32, #tpu.memory_space<vmem>>, vector<16xi32>,
      %gather3A = tpu.vector_load_idx %arg8[%get3A_37] : memref<1024xf32, #tpu.memory_space<vmem>>[vector<16xi32>], vector<16xf32>,
      %mul3A_38 = arith.constant 16 : i32
      %mul3A_39 = arith.muli %scan3A_33, %mul3A_38 : i32
      %swap3A = arith.index_cast %mul3A_39 : i32 to index
      %swap3A_40 = tpu.vector_load %arg10[%swap3A] {strides = array<i32>} : memref<64xf32, #tpu.memory_space<vmem>>, vector<16xf32>,
      tpu.vector_store %arg10[%swap3A], %gather3A {strides = array<i32>} : memref<64xf32, #tpu.memory_space<vmem>>, vector<16xf32>,
      %gather3A_41 = tpu.vector_load_idx %arg9[%get3A_37] : memref<1024xf32, #tpu.memory_space<vmem>>[vector<16xi32>], vector<16xf32>,
      %mul3A_42 = arith.constant 16 : i32
      %mul3A_43 = arith.muli %scan3A_33, %mul3A_42 : i32
      %swap3A_44 = arith.index_cast %mul3A_43 : i32 to index
      %swap3A_45 = tpu.vector_load %arg11[%swap3A_44] {strides = array<i32>} : memref<64xf32, #tpu.memory_space<vmem>>, vector<16xf32>,
      tpu.vector_store %arg11[%swap3A_44], %gather3A_41 {strides = array<i32>} : memref<64xf32, #tpu.memory_space<vmem>>, vector<16xf32>,
      %scan3A_46 = arith.constant 0 : i32
      scf.yield %scan3A_46 : i32
    }
    %scan3A_24 = arith.constant 4 : i32
    %dma_start3A_25 = tpu.memref_slice %arg5[%mul3A_0] : memref<1024xf32, #tpu.memory_space<hbm>> -> memref<64xf32, #tpu.memory_space<hbm>>
    %dma_start3A_26 = tpu.memref_slice %arg5[%mul3A_0] : memref<1024xf32, #tpu.memory_space<hbm>> -> memref<64xf32, #tpu.memory_space<hbm>>
    tpu.enqueue_dma source(%arg10 : memref<64xf32, #tpu.memory_space<vmem>>) target(%dma_start3A_26 : memref<64xf32, #tpu.memory_space<hbm>>) target_semaphore(%arg13 : memref<!tpu.dma_semaphore, #tpu.memory_space<semaphore_mem>>)
    %dma_start3A_27 = tpu.memref_slice %arg6[%mul3A_0] : memref<1024xf32, #tpu.memory_space<hbm>> -> memref<64xf32, #tpu.memory_space<hbm>>
    %dma_start3A_28 = tpu.memref_slice %arg6[%mul3A_0] : memref<1024xf32, #tpu.memory_space<hbm>> -> memref<64xf32, #tpu.memory_space<hbm>>
    tpu.enqueue_dma source(%arg11 : memref<64xf32, #tpu.memory_space<vmem>>) target(%dma_start3A_28 : memref<64xf32, #tpu.memory_space<hbm>>) target_semaphore(%arg13 : memref<!tpu.dma_semaphore, #tpu.memory_space<semaphore_mem>>)
    %dma_wait3A_29 = tpu.memref_slice %arg5[%mul3A_0] : memref<1024xf32, #tpu.memory_space<hbm>> -> memref<64xf32, #tpu.memory_space<hbm>>
    %dma_wait3A_30 = tpu.memref_slice %arg5[%mul3A_0] : memref<1024xf32, #tpu.memory_space<hbm>> -> memref<64xf32, #tpu.memory_space<hbm>>
    tpu.wait_dma2 semaphore(%arg13 : memref<!tpu.dma_semaphore, #tpu.memory_space<semaphore_mem>>) src(%arg10 : memref<64xf32, #tpu.memory_space<vmem>>) dst(%dma_wait3A_30 : memref<64xf32, #tpu.memory_space<hbm>>)
    %dma_wait3A_31 = tpu.memref_slice %arg6[%mul3A_0] : memref<1024xf32, #tpu.memory_space<hbm>> -> memref<64xf32, #tpu.memory_space<hbm>>
    %dma_wait3A_32 = tpu.memref_slice %arg6[%mul3A_0] : memref<1024xf32, #tpu.memory_space<hbm>> -> memref<64xf32, #tpu.memory_space<hbm>>
    tpu.wait_dma2 semaphore(%arg13 : memref<!tpu.dma_semaphore, #tpu.memory_space<semaphore_mem>>) src(%arg11 : memref<64xf32, #tpu.memory_space<vmem>>) dst(%dma_wait3A_32 : memref<64xf32, #tpu.memory_space<hbm>>)
    return
  }
}

</mosaic_0001>

<sc_bundles>
// kernel: kernel.3.cloned.1.call-start
scs
__scs_entry_jumppad:
0x0: {  	(pc) =	sbr.rel $0x88, $3  }
0x1: {  	(tag) =	ssettag $0x0;
	lr =	simm.s32 $0x1  }
0x2: {  	[smem:$0x3F9E] =	sst lr;
	_ =	strace $0xD0000000  }
0x3: {  	_ = 	snop  }
0x4: {  	_ = 	snop  }
0x5: {  	_ = 	snop  }
0x6: {  	_ = 	snop  }
0x7: {  	_ = 	snop  }
__scs_overlays_trampoline_lowered:
0x8: {  	[smem:$0x3FAD] =	sst s0  }
0x9: {  	[smem:$0x3FAE] =	sst s1  }
0xa: {  	[smem:$0x3FAF] =	sst s2  }
0xb: {  	[smem:$0x3FB0] =	sst s3  }
0xc: {  	[smem:$0x3FB1] =	sst s4  }
0xd: {  	[smem:$0x3FB2] =	sst s5  }
0xe: {  	[smem:$0x3FB3] =	sst s6  }
0xf: {  	[smem:$0x3FB4] =	sst s7  }
0x10: {  	[smem:$0x3FB5] =	sst s8  }
0x11: {  	[smem:$0x3FB6] =	sst s9;
	s0 =	simm.s32 @!p0 $0x0  }
0x12: {  	s1 =	sld [smem:$0x3F9C];
	s0 =	simm.s32 @p0 $0x1  }
0x13: {  	[smem:$0x3FB7] =	sst s0;
	s0 =	simm.s32 @!p1 $0x0  }
0x14: {  	s2 =	sld [smem:$0x3F9B];
	s0 =	simm.s32 @p1 $0x1  }
0x15: {  	[smem:$0x3FB8] =	sst s0;
	s0 =	simm.s32 @!p2 $0x0  }
0x16: {  	s3 =	sld [smem:$0x3FDB];
	s0 =	simm.s32 @p2 $0x1  }
0x17: {  	s4 =	simm.s32 $0x1BF5;
	[smem:$0x3FBA] =	sst s0  }
0x18: {  	s0 =	sld [smem:$0x3F9D];
	_ =	swait.ge [sflag:s4], $0x0  }
0x19: {  	s7 =	sld [smem:$0x3F9E]  }
0x1a: {  	s8 =	sadd.s32 $0xFFFFE003, lr  }
0x1b: {  	s9 =	sadd.s32 $0xFFFFFEF7, lr;
	s5 =	simm.s32 $0xFFFFFFFF;
	p2 =	slt.u32 s8, $0xFFFFF086  }
0x1c: {  	p1 =	slt.u32 s9, $0xF7A;
	s5 =	simm.s32 @!p2 $0x0  }
0x1d: {  	s5 =	simm.s32 @p1 $0x1;
	p0 =	seq.s32 s7, s2  }
0x1e: {  	s7 =	smul.u32 @!p0 $0xF7A, s2;
	p2 =	seq.s32 @!p0 s5, $0x0  }
0x1f: {  	s9 =	smul.u32 $0xF7A, s1;
	s8 =	simm.s32 @!p0 $0x1BF5;
	p2 =	por !p2, p0  }
0x20: {  	[sflag:s8] =	ssyncset.s32 @!p0 $0xFFFFF086;
	s6 =	sadd.s32 @!p0 s3, s7;
	s7 =	simm.s32 @!p0 $0x108  }
0x21: {  	s3 =	sadd.s32 s3, s9;
	s6 =	sadd.s32 @!p0 $0x88, s6;
	s7 =	simm.s32 @p2 $0x1082  }
0x22: {  	[simem:s7], [sflag:s8] =	dma.local @!p0 [hbm:s6], $0xF7A  }
0x23: {  	s9 =	sor.u32 $0xD0000000, s2;
	s6 =	simm.s32 $0x108;
	_ =	swait.ge @!p0 [sflag:s8], $0x0  }
0x24: {  	s3 =	sadd.s32 $0x88, s3;
	s6 =	simm.s32 @!p1 $0x1082;
	[sflag:s4] =	ssyncset.s32 $0xFFFFF086  }
0x25: {  	[simem:s6], [sflag:s4] =	dma.local [hbm:s3], $0xF7A  }
0x26: {  	[smem:$0x3F9E] =	sst s1;
	(tag) =	ssettag s2;
	_ =	strace s9  }
0x27: {  	s1 =	sld [smem:$0x3FAE]  }
0x28: {  	s2 =	sld [smem:$0x3FAF]  }
0x29: {  	s4 =	sld [smem:$0x3FB1]  }
0x2a: {  	p0 =	seq.s32 s5, $0x0;
	s5 =	sld [smem:$0x3FB2]  }
0x2b: {  	s6 =	sld [smem:$0x3FB3]  }
0x2c: {  	s7 =	sld [smem:$0x3FB4]  }
0x2d: {  	s3 =	simm.s32 $0x108;
	s8 =	sld [smem:$0x3FB5]  }
0x2e: {  	s3 =	simm.s32 @!p0 $0x1082;
	s9 =	sld [smem:$0x3FB6]  }
0x2f: {  	lr =	sadd.s32 s0, s3;
	s0 =	sld [smem:$0x3FAD]  }
0x30: {  	s3 =	sld [smem:$0x3FB0]  }
0x31: {  	[smem:$0x3FB9] =	sst s10  }
0x32: {  	s10 =	sld [smem:$0x3FB7];
	_ =	sdelay $0x3  }
0x33: {  	p0 =	seq.s32 s10, $0x1;
	s10 =	sld [smem:$0x3FB9];
	_ =	sdelay $0x3  }
0x34: {  	[smem:$0x3FB9] =	sst s10  }
0x35: {  	s10 =	sld [smem:$0x3FB8];
	_ =	sdelay $0x3  }
0x36: {  	p1 =	seq.s32 s10, $0x1;
	s10 =	sld [smem:$0x3FB9];
	_ =	sdelay $0x3  }
0x37: {  	[smem:$0x3FB9] =	sst s10  }
0x38: {  	s10 =	sld [smem:$0x3FBA]  }
0x39: {  	_ = 	snop;
	(pc) =	sbr.ind lr, $3  }
0x3a: {  	_ = 	snop  }
0x3b: {  	_ = 	snop  }
0x3c: {  	p2 =	seq.s32 s10, $0x1;
	s10 =	sld [smem:$0x3FB9]  }
0x3d: {  	_ =	shalt  }
0x3e: {  	_ =	shalt  }
0x3f: {  	_ =	shalt  }
0x40: {  	_ =	shalt  }
0x41: {  	_ =	shalt  }
0x42: {  	_ =	shalt  }
0x43: {  	_ =	shalt  }
0x44: {  	_ =	shalt  }
0x45: {  	_ =	shalt  }
0x46: {  	_ =	shalt  }
0x47: {  	_ =	shalt  }
0x48: {  	_ =	shalt  }
0x49: {  	_ =	shalt  }
0x4a: {  	_ =	shalt  }
0x4b: {  	_ =	shalt  }
0x4c: {  	_ =	shalt  }
0x4d: {  	_ =	shalt  }
0x4e: {  	_ =	shalt  }
0x4f: {  	_ =	shalt  }
0x50: {  	_ =	shalt  }
0x51: {  	_ =	shalt  }
0x52: {  	_ =	shalt  }
0x53: {  	_ =	shalt  }
0x54: {  	_ =	shalt  }
0x55: {  	_ =	shalt  }
0x56: {  	_ =	shalt  }
0x57: {  	_ =	shalt  }
0x58: {  	_ =	shalt  }
0x59: {  	_ =	shalt  }
0x5a: {  	_ =	shalt  }
0x5b: {  	_ =	shalt  }
0x5c: {  	_ =	shalt  }
0x5d: {  	_ =	shalt  }
0x5e: {  	_ =	shalt  }
0x5f: {  	_ =	shalt  }
0x60: {  	_ =	shalt  }
0x61: {  	_ =	shalt  }
0x62: {  	_ =	shalt  }
0x63: {  	_ =	shalt  }
0x64: {  	_ =	shalt  }
0x65: {  	_ =	shalt  }
0x66: {  	_ =	shalt  }
0x67: {  	_ =	shalt  }
0x68: {  	_ =	shalt  }
0x69: {  	_ =	shalt  }
0x6a: {  	_ =	shalt  }
0x6b: {  	_ =	shalt  }
0x6c: {  	_ =	shalt  }
0x6d: {  	_ =	shalt  }
0x6e: {  	_ =	shalt  }
0x6f: {  	_ =	shalt  }
0x70: {  	_ =	shalt  }
0x71: {  	_ =	shalt  }
0x72: {  	_ =	shalt  }
0x73: {  	_ =	shalt  }
0x74: {  	_ =	shalt  }
0x75: {  	_ =	shalt  }
0x76: {  	_ =	shalt  }
0x77: {  	_ =	shalt  }
0x78: {  	_ =	shalt  }
0x79: {  	_ =	shalt  }
0x7a: {  	_ =	shalt  }
0x7b: {  	_ =	shalt  }
0x7c: {  	_ =	shalt  }
0x7d: {  	_ =	shalt  }
0x7e: {  	_ =	shalt  }
0x7f: {  	_ =	shalt  }
0x80: {  	_ =	shalt  }
0x81: {  	_ =	shalt  }
0x82: {  	_ =	shalt  }
0x83: {  	_ =	shalt  }
0x84: {  	_ =	shalt  }
0x85: {  	_ =	shalt  }
0x86: {  	_ =	shalt  }
0x87: {  	_ =	shalt  }
.Lfunc_end0:
.L_simem_size_0:
called_computation_lowered:
.L_overlay_start_0:
0x88: {  	s0 =	sld [smem:$0x3FD9]  }
0x89: {  	s1 =	sld [smem:$0x3FFE];
	_ =	sdelay $0x3  }
0x8a: {  	s0 =	sadd.s32 s1, s0  }
0x8b: {  	[smem:$0x3FC5] =	sst s0  }
0x8c: {  	_ = 	snop  }
0x8d: {  	s0 =	sld [smem:$0x3FD0]  }
0x8e: {  	s14 =	sld [smem:$0x3FC9]  }
0x8f: {  	s2 =	sld [smem:$0x3FC8]  }
0x90: {  	s4 =	simm.s32 $0xA;
	s5 =	simm.s32 $0x10;
	s3 =	sld [smem:$0x3FC7]  }
0x91: {  	[smem:s5], [sflag:s4] =	dma.local [hbm:s0], $0x1  }
0x92: {  	_ =	swait.eq [sflag:s4], $0x1  }
0x93: {  	[sflag:s4] =	ssyncset.done $0x0  }
0x94: {  	s15 =	sld [smem:$0x10];
	[sflag:s4] =	ssyncadd.s32 $0xFFFFFFFF  }
0x95: {  	s16 =	sld [smem:$0x11];
	(tm) =	ssettm $0x1  }
0x96: {  	s17 =	sld [smem:$0x3FFB];
	_ =	sdelay $0x3  }
0x97: {  	_ =	strace s17  }
0x98: {  	s5 =	sld [smem:$0x3FFC];
	_ =	sdelay $0x3  }
0x99: {  	_ =	strace s5  }
0x9a: {  	s5 =	sld [smem:$0x3FFD];
	_ =	sdelay $0x3  }
0x9b: {  	_ =	strace s5  }
0x9c: {  	_ =	strace $0x8FFFFFFF  }
0x9d: {  	s18 =	sld [smem:$0x3FDB];
	_ =	sdelay $0x1  }
0x9e: {  	s6 =	simm.s32 $_scs_section_size  }
0x9f: {  	s7 =	simm.s32 $_size__tile_overlayer_lowered;
	s8 =	simm.s32 $_tile_overlayer_lowered  }
0xa0: {  	s21 =	simm.s32 $0x1BFF;
	s20 =	sshll.u32 s8, $0x1;
	s5 =	sadd.s32 s6, s18  }
0xa1: {  	s9 =	simm.s32 $0x0;
	s19 =	sshll.u32 s7, $0x1;
	s7 =	sadd.s32 s20, s5  }
0xa2: {  	[timem:s9], [sflag:s21] =	dma.local [hbm:s7], s19  }
0xa3: {  	_ =	swait.ge [sflag:s21], s19  }
0xa4: {  	s6 =	ssub.s32 $0x0, s19;
	[sflag:s21] =	ssyncset.done $0x0  }
0xa5: {  	[sflag:s21] =	ssyncadd.s32 s6;
	_ =	sdelay $0x1  }
0xa6: {  	s22 =	simm.s32 $0x1B8B  }
0xa7: {  	_ =	swait.ge [sflag:s22], $0x1  }
0xa8: {  	[sflag:s22] =	ssyncset.done $0x0  }
0xa9: {  	s23 =	simm.s32 $0x1B8E;
	[sflag:s22] =	ssyncadd.s32 $0xFFFFFFFF  }
0xaa: {  	s24 =	simm.s32 $execute0_lowered;
	[smem:$0x3FD2] =	sst s23  }
0xab: {  	s6 =	sshll.u32 s24, $0x1;
	_ =	strace $0x80000046;
	[dreg:$0x1] =	wrdreg $0xFFFFFFFF  }
0xac: {  	s25 =	simm.s32 $_size_execute0_lowered;
	s5 =	sadd.s32 s5, s6;
	[dreg:$0x0] =	wrdreg $0x0  }
0xad: {  	s6 =	sshll.u32 s25, $0x1;
	[dreg:$0x2] =	wrdreg s5  }
0xae: {  	[dreg:$0x3] =	wrdreg s6  }
0xaf: {  	[dreg:$0x4] =	wrdreg $0xC0  }
0xb0: {  	_ =	task [dreg:s9], $0x5FFFF  }
0xb1: {  	[dreg:$0x1] =	wrdreg $0xFFFFFFFF  }
0xb2: {  	[dreg:$0x0] =	wrdreg $0x60  }
0xb3: {  	[dreg:$0x2] =	wrdreg s14  }
0xb4: {  	[dreg:$0x3] =	wrdreg s2  }
0xb5: {  	[dreg:$0x4] =	wrdreg s3  }
0xb6: {  	[dreg:$0x5] =	wrdreg s15  }
0xb7: {  	[dreg:$0x6] =	wrdreg s16  }
0xb8: {  	[dreg:$0x7] =	wrdreg $0x9  }
0xb9: {  	_ =	task.clear_ibuf [dreg:s9], $0x8FFFF;
	_ =	strace $0x90000046  }
0xba: {  	s26 =	simm.s32 $0x9;
	_ =	strace $0x80000048  }
0xbb: {  	_ =	swait.ge [sflag:s26], $0x1  }
0xbc: {  	[sflag:s26] =	ssyncadd.s32 $0xFFFFFFFF  }
0xbd: {  	_ =	strace $0x90000048  }
0xbe: {  	_ =	sfence  }
0xbf: {  	s28 =	sld [smem:$0x0];
	_ =	sdelay $0x1  }
0xc0: {  	s29 =	srdreg.scid  }
0xc1: {  	s30 =	sshll.u32 s29, $0xD;
	s31 =	sshrl.u32 s29, $0x2  }
0xc2: {  	s1 =	sand.u32 $0x1, s29;
	s2 =	sand.u32 $0x4000, s30;
	s0 =	sadd.s32 s31, s28  }
0xc3: {  	s1 =	sor.u32 s2, s1;
	s0 =	sshll.u32 s0, $0x11  }
0xc4: {  	s0 =	sor.u32 s0, s1  }
0xc5: {  	s0 =	sadd.s32 $0x8F2B, s0  }
0xc6: {  	[sflag:s0] =	ssyncadd.remote.s32 $0x1  }
0xc7: {  	_ =	sfence.sel $0xFFFF  }
0xc8: {  	[dreg:$0x0] =	wrdreg $0xFFFFFFFF;
	(pc) =	sbr.abs _section_cstart, $3  }
0xc9: {  	[dreg:$0x1] =	wrdreg $0xFFFFFFFF  }
0xca: {  	_ =	task.clear_ibuf [dreg:s9], $0x2FFFF;
	_ =	strace $0x9FFFFFFF  }
0xcb: {  	(tm) =	ssettm $0x7FFFFFFF  }
tec
execute0_lowered:
.L_overlay_start_1:
0x0: {  	(tag) =	ssettag $0x1  }
0x1: {  	s0 =	rddreg [dreg:$0x0]  }
0x2: {  	s1 =	rddreg [dreg:$0x1]  }
0x3: {  	s2 =	rddreg [dreg:$0x2]  }
0x4: {  	s3 =	rddreg [dreg:$0x3]  }
0x5: {  	s4 =	rddreg [dreg:$0x4];
	s6 =	simm.s32 $0x0;
	s7 =	stileid.u32  }
0x6: {  	[smem:$0x7FF] =	sst s6;
	s8 =	sshll.u32 s7, $0x3  }
0x7: {  	s5 =	rddreg [dreg:$0x5];
	_ =	strace $0x80000047;
	s0 =	sadd.s32 s0, s8  }
0x8: {  	[tilespmem:s6], [sflag:$0x1] =	stream.linear.gather [hbm4b:s0+s6], $0x40, $0x38;
	[tilespmem:$0x980] =	vst v63  }
0x9: {  	s23 =	simm.s32 $0x80  }
0xa: {  	[tilespmem:s23], [sflag:$0x1] =	stream.linear.gather [hbm4b:s1+s6], $0x3E8, $0x38;
	[tilespmem:$0x980] =	vst v63  }
0xb: {  	s24 =	simm.s32 $0x480;
	s25 =	simm.s32 $0x1  }
0xc: {  	[tilespmem:s24], [sflag:$0x1] =	stream.linear.gather [hbm4b:s2+s6], $0x3E8, $0x38;
	[tilespmem:$0x980] =	vst v63  }
0xd: {  	_ =	swait.ge [sflag:s25], $0x40  }
0xe: {  	[sflag:s25] =	ssyncset.done $0x0  }
0xf: {  	[sflag:s25] =	ssyncadd.s32 $0xFFFFFFC0  }
0x10: {  	_ =	swait.ge [sflag:s25], $0x3E8  }
0x11: {  	[sflag:s25] =	ssyncset.done $0x0  }
0x12: {  	[sflag:s25] =	ssyncadd.s32 $0xFFFFFC18  }
0x13: {  	_ =	swait.ge [sflag:s25], $0x3E8  }
0x14: {  	[sflag:s25] =	ssyncset.done $0x0  }
0x15: {  	[sflag:s25] =	ssyncadd.s32 $0xFFFFFC18  }
0x16: {  	v0 =	vld [tilespmem:$0x0];
	_ =	sdelay $0x7  }
0x17: {  	v1 =	vld.idx.msk [tilespmem:v0+s23+$0x0], $0xffff;
	_ =	sdelay $0x3  }
0x18: {  	v2 =	vld [tilespmem:$0x10]  }
0x19: {  	[tilespmem:$0x880] =	vst v1  }
0x1a: {  	v0 =	vld.idx.msk [tilespmem:v0+s24+$0x0], $0xffff;
	_ =	sdelay $0x4  }
0x1b: {  	[tilespmem:$0x900] =	vst v0  }
0x1c: {  	v0 =	vld.idx.msk [tilespmem:v2+s23+$0x0], $0xffff;
	_ =	sdelay $0x3  }
0x1d: {  	v62 =	vld [tilespmem:$0x20]  }
0x1e: {  	[tilespmem:$0x890] =	vst v0  }
0x1f: {  	v0 =	vld.idx.msk [tilespmem:v2+s24+$0x0], $0xffff;
	_ =	sdelay $0x4  }
0x20: {  	[tilespmem:$0x910] =	vst v0  }
0x21: {  	v0 =	vld.idx.msk [tilespmem:v62+s23+$0x0], $0xffff;
	_ =	sdelay $0x3  }
0x22: {  	v63 =	vld [tilespmem:$0x30]  }
0x23: {  	[tilespmem:$0x8A0] =	vst v0  }
0x24: {  	v0 =	vld.idx.msk [tilespmem:v62+s24+$0x0], $0xffff;
	_ =	sdelay $0x4  }
0x25: {  	[tilespmem:$0x920] =	vst v0  }
0x26: {  	v0 =	vld.idx.msk [tilespmem:v63+s23+$0x0], $0xffff;
	_ =	sdelay $0x4  }
0x27: {  	[tilespmem:$0x8B0] =	vst v0  }
0x28: {  	v0 =	vld.idx.msk [tilespmem:v63+s24+$0x0], $0xffff;
	_ =	sdelay $0x4  }
0x29: {  	s28 =	simm.s32 $0x880;
	s26 =	sadd.s32 s3, s8;
	[tilespmem:$0x930] =	vst v0  }
0x2a: {  	[hbm4b:s26+s6] =	stream.linear.scatter [tilespmem:s28], [sflag:$0x2], $0x40, $0x38;
	[tilespmem:$0x980] =	vst v63  }
0x2b: {  	s30 =	simm.s32 $0x900;
	s31 =	simm.s32 $0x2;
	s29 =	sadd.s32 s4, s8  }
0x2c: {  	[hbm4b:s29+s6] =	stream.linear.scatter [tilespmem:s30], [sflag:$0x2], $0x40, $0x38;
	[tilespmem:$0x980] =	vst v63  }
0x2d: {  	_ =	swait.ge [sflag:s31], $0x40  }
0x2e: {  	[sflag:s31] =	ssyncset.done $0x0  }
0x2f: {  	[sflag:s31] =	ssyncadd.s32 $0xFFFFFFC0  }
0x30: {  	_ =	swait.ge [sflag:s31], $0x40  }
0x31: {  	[sflag:s31] =	ssyncset.done $0x0  }
0x32: {  	[sflag:s31] =	ssyncadd.s32 $0xFFFFFFC0  }
0x33: {  	_ =	sfence.sel $0x180000  }
0x34: {  	[bflag:$0x0] =	sbarrier.arrive $0xFFFF  }
0x35: {  	p0 =	sne.s32 s7, $0x0;
	_ =	strace $0x90000047  }
0x36: {  	s0 =	sadd.s32 @!p0 $0x100000, s5;
	[bflag:$0x2] =	sbarrier.arrive $0xFFFF  }
0x37: {  	[sflag:s0] =	ssyncadd.tile.s32 @!p0 $0x1;
	_ =	shalt  }
.Lfunc_end2:
_tile_overlayer_lowered:
.L_overlay_start_2:
0x38: {  	(tag) =	ssettag $0x2  }
0x39: {  	s0 =	rddreg [dreg:$0x0];
	s2 =	stileid.u32  }
0x3a: {  	s1 =	rddreg [dreg:$0x1];
	p0 =	sne.s32 s2, $0x0  }
0x3b: {  	s3 =	rddreg [dreg:$0x2];
	[bflag:$0x3] =	sbarrier.arrive $0xFFFF;
	s2 =	simm.s32 @!p0 $0x1C03  }
0x3c: {  	[timem:s3], [sflag:s2] =	dma.local @!p0 [hbm:s0], s1  }
0x3d: {  	s0 =	simm.s32 @!p0 $0x3  }
0x3e: {  	_ =	swait.ge @!p0 [sflag:s0], s1  }
0x3f: {  	s1 =	ssub.s32 @!p0 $0x0, s1;
	[sflag:s0] =	ssyncset.done @!p0 $0x0  }
0x40: {  	[sflag:s0] =	ssyncadd.s32 @!p0 s1  }
0x41: {  	[bflag:$0x3] =	sbarrier.arrive $0xFFFF  }
0x42: {  	_ =	shalt  }

</sc_bundles>
